<compile_context>
chip_gen: v7x
topology: tpu7x:2x2x1
jax: 0.10.2.dev20260603
libtpu: 0.0.44.dev20260713+nightly
codegen_flags: <defaults>
</compile_context>

<pallas_src>
import jax
import jax.numpy as jnp
from jax import lax
from jax.experimental import pallas as pl
from jax.experimental.pallas import tpu as pltpu
from jax.experimental.pallas import tpu_sc as plsc

NUM_GRAPHS_C = 100
GS = 1000
K_SEL = 32
D_FEAT = 128
NC, NS = 2, 16


def _body(emb_hbm, pooled_hbm, idx_hbm, idxb_v, sem_w):
    wid = lax.axis_index("s") * NC + lax.axis_index("c")
    iota16 = lax.iota(jnp.int32, 16)
    idxb_v[pl.ds(0, 16)] = iota16
    idxb_v[pl.ds(16, 16)] = iota16 + 16

    @pl.when(wid < 1)
    def _w():
        pltpu.async_copy(idxb_v, idx_hbm.at[wid], sem_w)
        pltpu.make_async_copy(idxb_v, idx_hbm.at[wid], sem_w).wait()


@jax.jit
def _sort_pool(emb):
    n_graphs = emb.shape[0] // GS
    run = pl.kernel(
        _body,
        out_type=(
            jax.ShapeDtypeStruct((n_graphs, K_SEL, D_FEAT), jnp.float32),
            jax.ShapeDtypeStruct((n_graphs, K_SEL), jnp.int32),
        ),
        mesh=plsc.VectorSubcoreMesh(core_axis_name="c", subcore_axis_name="s",
                                    num_cores=NC, num_subcores=NS),
        scratch_types=[
            pltpu.VMEM((K_SEL,), jnp.int32),
            pltpu.SemaphoreType.DMA,
        ],
        compiler_params=pltpu.CompilerParams(use_tc_tiling_on_sc=False,
                                             needs_layout_passes=False),
    )
    return run(emb)


def kernel(node_embeddings, graph_sizes):
    del graph_sizes
    return _sort_pool(node_embeddings)

# --- scband reference (transcript-rebuilt; emitter-appended) ---
"""Pipeline reference for scband-sort-pooling-layer-87127706567145 (READ-ONLY COPY).

The authoritative reference and input builder live on the scoring server;
editing this copy changes nothing except your own understanding.
"""

import jax, jax.numpy as jnp
import numpy as np

NUM_GRAPHS = 100
GRAPH_SIZE = 1000
K = 32
D = 128


def setup_inputs(seed: int = 0) -> dict:
    key = jax.random.key(seed)
    node_embeddings = jax.random.normal(key, (NUM_GRAPHS * GRAPH_SIZE, D), dtype=jnp.float32)
    # graph_sizes: constant list of equal-sized graphs (100 graphs x 1000 nodes = 100000 nodes)
    graph_sizes = jnp.full((NUM_GRAPHS,), GRAPH_SIZE, dtype=jnp.int64)
    return {"node_embeddings": node_embeddings, "graph_sizes": graph_sizes}


def reference(node_embeddings, graph_sizes):
    # SortPooling: rank nodes within each graph by the last feature channel,
    # select top-k nodes per graph, gather their embeddings.
    num_graphs = graph_sizes.shape[0]
    d = node_embeddings.shape[1]
    gs = GRAPH_SIZE  # all graphs equal-sized -> static reshape (cu-offsets are i*gs)
    x = node_embeddings.reshape(num_graphs, gs, d)
    sort_channel = x[:, :, -1]  # [num_graphs, gs]
    # actual_k = min(K, gs) == K here since gs >= K, so no zero-padding branch taken
    _, topk_idx = jax.lax.top_k(sort_channel, K)  # [num_graphs, K], local indices
    pooled_graphs = jnp.take_along_axis(x, topk_idx[:, :, None], axis=1)  # [num_graphs, K, d]
    # global indices: local index + accumulated node-count offset (faithful to torch loop)
    offsets = (jnp.arange(num_graphs, dtype=topk_idx.dtype) * gs)[:, None]
    global_topk_indices = topk_idx + offsets  # [num_graphs, K]
    return pooled_graphs, global_topk_indices

if __name__ == "__main__":
    import jax
    _d = setup_inputs()
    print(jax.jit(kernel)(*tuple(_d.values())))

</pallas_src>

<mosaic_0001>
#map = affine_map<(d0, d1) -> (0, 0)>
#map1 = affine_map<(d0, d1) -> (0, 0, 0)>
module attributes {stable_mosaic.version = 14 : i64} {
  func.func @_body(%arg0: i32, %arg1: i32, %arg2: memref<100000x128xf32, #tpu.memory_space<hbm>>, %arg3: memref<100x32x128xf32, #tpu.memory_space<hbm>>, %arg4: memref<100x32xi32, #tpu.memory_space<hbm>>, %arg5: memref<32xi32, #tpu.memory_space<vmem>>, %arg6: memref<!tpu.dma_semaphore, #tpu.memory_space<semaphore_mem>>) attributes {dimension_semantics = [#tpu.dimension_semantics<core_parallel>, #tpu.dimension_semantics<subcore_parallel>], iteration_bounds = array<i64: 2, 16>, scalar_prefetch = 0 : i64, scratch_operands = 2 : i64, tpu.core_type = #tpu.core_type<sc_vector_subcore>, window_params = [{transform_indices = #map}, {transform_indices = #map1}, {transform_indices = #map}]} {
    %mul3A = arith.constant 2 : i32
    %mul3A_0 = arith.muli %arg1, %mul3A : i32
    %add3A = arith.addi %mul3A_0, %arg0 : i32
    %iota3A = tpu.iota {dimensions = array<i32: 0>} : vector<16xi32>
    %swap3A = arith.constant 0 : index
    %swap3A_1 = tpu.vector_load %arg5[%swap3A] {strides = array<i32>} : memref<32xi32, #tpu.memory_space<vmem>>, vector<16xi32>,
    tpu.vector_store %arg5[%swap3A], %iota3A {strides = array<i32>} : memref<32xi32, #tpu.memory_space<vmem>>, vector<16xi32>,
    %add3A_2 = arith.constant 16 : i32
    %add3A_3 = vector.broadcast %add3A_2 : i32 to vector<16xi32>
    %add3A_4 = arith.addi %iota3A, %add3A_3 : vector<16xi32>
    %swap3A_5 = arith.constant 16 : index
    %swap3A_6 = tpu.vector_load %arg5[%swap3A_5] {strides = array<i32>} : memref<32xi32, #tpu.memory_space<vmem>>, vector<16xi32>,
    tpu.vector_store %arg5[%swap3A_5], %add3A_4 {strides = array<i32>} : memref<32xi32, #tpu.memory_space<vmem>>, vector<16xi32>,
    %lt3A = arith.constant 1 : i32
    %lt3A_7 = arith.cmpi slt, %add3A, %lt3A : i32
    %convert_element_type3A = arith.extui %lt3A_7 : i1 to i32
    %cond3A = arith.constant 0 : i32
    %cond3A_8 = arith.cmpi ne, %convert_element_type3A, %cond3A : i32
    scf.if %cond3A_8 {
      %dma_start3A = arith.constant 0 : i32
      %dma_start3A_9 = tpu.memref_slice %arg4[%add3A, %dma_start3A] : memref<100x32xi32, #tpu.memory_space<hbm>> -> memref<1x32xi32, #tpu.memory_space<hbm>>
      %dma_start3A_10 = tpu.memref_squeeze %dma_start3A_9 : memref<1x32xi32, #tpu.memory_space<hbm>> -> memref<32xi32, #tpu.memory_space<hbm>>
      %dma_start3A_11 = arith.constant 0 : i32
      %dma_start3A_12 = tpu.memref_slice %arg4[%add3A, %dma_start3A_11] : memref<100x32xi32, #tpu.memory_space<hbm>> -> memref<1x32xi32, #tpu.memory_space<hbm>>
      %dma_start3A_13 = tpu.memref_squeeze %dma_start3A_12 : memref<1x32xi32, #tpu.memory_space<hbm>> -> memref<32xi32, #tpu.memory_space<hbm>>
      tpu.enqueue_dma source(%arg5 : memref<32xi32, #tpu.memory_space<vmem>>) target(%dma_start3A_13 : memref<32xi32, #tpu.memory_space<hbm>>) target_semaphore(%arg6 : memref<!tpu.dma_semaphore, #tpu.memory_space<semaphore_mem>>)
      %dma_wait3A = arith.constant 0 : i32
      %dma_wait3A_14 = tpu.memref_slice %arg4[%add3A, %dma_wait3A] : memref<100x32xi32, #tpu.memory_space<hbm>> -> memref<1x32xi32, #tpu.memory_space<hbm>>
      %dma_wait3A_15 = tpu.memref_squeeze %dma_wait3A_14 : memref<1x32xi32, #tpu.memory_space<hbm>> -> memref<32xi32, #tpu.memory_space<hbm>>
      %dma_wait3A_16 = arith.constant 0 : i32
      %dma_wait3A_17 = tpu.memref_slice %arg4[%add3A, %dma_wait3A_16] : memref<100x32xi32, #tpu.memory_space<hbm>> -> memref<1x32xi32, #tpu.memory_space<hbm>>
      %dma_wait3A_18 = tpu.memref_squeeze %dma_wait3A_17 : memref<1x32xi32, #tpu.memory_space<hbm>> -> memref<32xi32, #tpu.memory_space<hbm>>
      tpu.wait_dma2 semaphore(%arg6 : memref<!tpu.dma_semaphore, #tpu.memory_space<semaphore_mem>>) src(%arg5 : memref<32xi32, #tpu.memory_space<vmem>>) dst(%dma_wait3A_18 : memref<32xi32, #tpu.memory_space<hbm>>)
    } else {
    }
    return
  }
}

</mosaic_0001>

<sc_bundles>
// kernel: _sort_pool.3.cloned.1.call-start
scs
__scs_entry_jumppad:
0x0: {  	(pc) =	sbr.rel $0x88, $3  }
0x1: {  	(tag) =	ssettag $0x0;
	lr =	simm.s32 $0x1  }
0x2: {  	[smem:$0x3FA0] =	sst lr;
	_ =	strace $0xD0000000  }
0x3: {  	_ = 	snop  }
0x4: {  	_ = 	snop  }
0x5: {  	_ = 	snop  }
0x6: {  	_ = 	snop  }
0x7: {  	_ = 	snop  }
__scs_overlays_trampoline_lowered:
0x8: {  	[smem:$0x3FAF] =	sst s0  }
0x9: {  	[smem:$0x3FB0] =	sst s1  }
0xa: {  	[smem:$0x3FB1] =	sst s2  }
0xb: {  	[smem:$0x3FB2] =	sst s3  }
0xc: {  	[smem:$0x3FB3] =	sst s4  }
0xd: {  	[smem:$0x3FB4] =	sst s5  }
0xe: {  	[smem:$0x3FB5] =	sst s6  }
0xf: {  	[smem:$0x3FB6] =	sst s7  }
0x10: {  	[smem:$0x3FB7] =	sst s8  }
0x11: {  	[smem:$0x3FB8] =	sst s9;
	s0 =	simm.s32 @!p0 $0x0  }
0x12: {  	s1 =	sld [smem:$0x3F9E];
	s0 =	simm.s32 @p0 $0x1  }
0x13: {  	[smem:$0x3FB9] =	sst s0;
	s0 =	simm.s32 @!p1 $0x0  }
0x14: {  	s2 =	sld [smem:$0x3F9D];
	s0 =	simm.s32 @p1 $0x1  }
0x15: {  	[smem:$0x3FBA] =	sst s0;
	s0 =	simm.s32 @!p2 $0x0  }
0x16: {  	s3 =	sld [smem:$0x3FDB];
	s0 =	simm.s32 @p2 $0x1  }
0x17: {  	s4 =	simm.s32 $0x1BF5;
	[smem:$0x3FBC] =	sst s0  }
0x18: {  	s0 =	sld [smem:$0x3F9F];
	_ =	swait.ge [sflag:s4], $0x0  }
0x19: {  	s7 =	sld [smem:$0x3FA0]  }
0x1a: {  	s8 =	sadd.s32 $0xFFFFE003, lr  }
0x1b: {  	s9 =	sadd.s32 $0xFFFFFEF7, lr;
	s5 =	simm.s32 $0xFFFFFFFF;
	p2 =	slt.u32 s8, $0xFFFFF086  }
0x1c: {  	p1 =	slt.u32 s9, $0xF7A;
	s5 =	simm.s32 @!p2 $0x0  }
0x1d: {  	s5 =	simm.s32 @p1 $0x1;
	p0 =	seq.s32 s7, s2  }
0x1e: {  	s7 =	smul.u32 @!p0 $0xF7A, s2;
	p2 =	seq.s32 @!p0 s5, $0x0  }
0x1f: {  	s9 =	smul.u32 $0xF7A, s1;
	s8 =	simm.s32 @!p0 $0x1BF5;
	p2 =	por !p2, p0  }
0x20: {  	[sflag:s8] =	ssyncset.s32 @!p0 $0xFFFFF086;
	s6 =	sadd.s32 @!p0 s3, s7;
	s7 =	simm.s32 @!p0 $0x108  }
0x21: {  	s3 =	sadd.s32 s3, s9;
	s6 =	sadd.s32 @!p0 $0x88, s6;
	s7 =	simm.s32 @p2 $0x1082  }
0x22: {  	[simem:s7], [sflag:s8] =	dma.local @!p0 [hbm:s6], $0xF7A  }
0x23: {  	s9 =	sor.u32 $0xD0000000, s2;
	s6 =	simm.s32 $0x108;
	_ =	swait.ge @!p0 [sflag:s8], $0x0  }
0x24: {  	s3 =	sadd.s32 $0x88, s3;
	s6 =	simm.s32 @!p1 $0x1082;
	[sflag:s4] =	ssyncset.s32 $0xFFFFF086  }
0x25: {  	[simem:s6], [sflag:s4] =	dma.local [hbm:s3], $0xF7A  }
0x26: {  	[smem:$0x3FA0] =	sst s1;
	(tag) =	ssettag s2;
	_ =	strace s9  }
0x27: {  	s1 =	sld [smem:$0x3FB0]  }
0x28: {  	s2 =	sld [smem:$0x3FB1]  }
0x29: {  	s4 =	sld [smem:$0x3FB3]  }
0x2a: {  	p0 =	seq.s32 s5, $0x0;
	s5 =	sld [smem:$0x3FB4]  }
0x2b: {  	s6 =	sld [smem:$0x3FB5]  }
0x2c: {  	s7 =	sld [smem:$0x3FB6]  }
0x2d: {  	s3 =	simm.s32 $0x108;
	s8 =	sld [smem:$0x3FB7]  }
0x2e: {  	s3 =	simm.s32 @!p0 $0x1082;
	s9 =	sld [smem:$0x3FB8]  }
0x2f: {  	lr =	sadd.s32 s0, s3;
	s0 =	sld [smem:$0x3FAF]  }
0x30: {  	s3 =	sld [smem:$0x3FB2]  }
0x31: {  	[smem:$0x3FBB] =	sst s10  }
0x32: {  	s10 =	sld [smem:$0x3FB9];
	_ =	sdelay $0x3  }
0x33: {  	p0 =	seq.s32 s10, $0x1;
	s10 =	sld [smem:$0x3FBB];
	_ =	sdelay $0x3  }
0x34: {  	[smem:$0x3FBB] =	sst s10  }
0x35: {  	s10 =	sld [smem:$0x3FBA];
	_ =	sdelay $0x3  }
0x36: {  	p1 =	seq.s32 s10, $0x1;
	s10 =	sld [smem:$0x3FBB];
	_ =	sdelay $0x3  }
0x37: {  	[smem:$0x3FBB] =	sst s10  }
0x38: {  	s10 =	sld [smem:$0x3FBC]  }
0x39: {  	_ = 	snop;
	(pc) =	sbr.ind lr, $3  }
0x3a: {  	_ = 	snop  }
0x3b: {  	_ = 	snop  }
0x3c: {  	p2 =	seq.s32 s10, $0x1;
	s10 =	sld [smem:$0x3FBB]  }
0x3d: {  	_ =	shalt  }
0x3e: {  	_ =	shalt  }
0x3f: {  	_ =	shalt  }
0x40: {  	_ =	shalt  }
0x41: {  	_ =	shalt  }
0x42: {  	_ =	shalt  }
0x43: {  	_ =	shalt  }
0x44: {  	_ =	shalt  }
0x45: {  	_ =	shalt  }
0x46: {  	_ =	shalt  }
0x47: {  	_ =	shalt  }
0x48: {  	_ =	shalt  }
0x49: {  	_ =	shalt  }
0x4a: {  	_ =	shalt  }
0x4b: {  	_ =	shalt  }
0x4c: {  	_ =	shalt  }
0x4d: {  	_ =	shalt  }
0x4e: {  	_ =	shalt  }
0x4f: {  	_ =	shalt  }
0x50: {  	_ =	shalt  }
0x51: {  	_ =	shalt  }
0x52: {  	_ =	shalt  }
0x53: {  	_ =	shalt  }
0x54: {  	_ =	shalt  }
0x55: {  	_ =	shalt  }
0x56: {  	_ =	shalt  }
0x57: {  	_ =	shalt  }
0x58: {  	_ =	shalt  }
0x59: {  	_ =	shalt  }
0x5a: {  	_ =	shalt  }
0x5b: {  	_ =	shalt  }
0x5c: {  	_ =	shalt  }
0x5d: {  	_ =	shalt  }
0x5e: {  	_ =	shalt  }
0x5f: {  	_ =	shalt  }
0x60: {  	_ =	shalt  }
0x61: {  	_ =	shalt  }
0x62: {  	_ =	shalt  }
0x63: {  	_ =	shalt  }
0x64: {  	_ =	shalt  }
0x65: {  	_ =	shalt  }
0x66: {  	_ =	shalt  }
0x67: {  	_ =	shalt  }
0x68: {  	_ =	shalt  }
0x69: {  	_ =	shalt  }
0x6a: {  	_ =	shalt  }
0x6b: {  	_ =	shalt  }
0x6c: {  	_ =	shalt  }
0x6d: {  	_ =	shalt  }
0x6e: {  	_ =	shalt  }
0x6f: {  	_ =	shalt  }
0x70: {  	_ =	shalt  }
0x71: {  	_ =	shalt  }
0x72: {  	_ =	shalt  }
0x73: {  	_ =	shalt  }
0x74: {  	_ =	shalt  }
0x75: {  	_ =	shalt  }
0x76: {  	_ =	shalt  }
0x77: {  	_ =	shalt  }
0x78: {  	_ =	shalt  }
0x79: {  	_ =	shalt  }
0x7a: {  	_ =	shalt  }
0x7b: {  	_ =	shalt  }
0x7c: {  	_ =	shalt  }
0x7d: {  	_ =	shalt  }
0x7e: {  	_ =	shalt  }
0x7f: {  	_ =	shalt  }
0x80: {  	_ =	shalt  }
0x81: {  	_ =	shalt  }
0x82: {  	_ =	shalt  }
0x83: {  	_ =	shalt  }
0x84: {  	_ =	shalt  }
0x85: {  	_ =	shalt  }
0x86: {  	_ =	shalt  }
0x87: {  	_ =	shalt  }
.Lfunc_end0:
.L_simem_size_0:
called_computation_lowered:
.L_overlay_start_0:
0x88: {  	s2 =	sld [smem:$0x3FD9]  }
0x89: {  	s3 =	sld [smem:$0x3FFE];
	_ =	sdelay $0x1  }
0x8a: {  	s1 =	srdreg.scid  }
0x8b: {  	s0 =	sand.u32 $0x1, s1  }
0x8c: {  	s15 =	sshll.u32 s0, $0xA;
	s2 =	sadd.s32 s3, s2  }
0x8d: {  	s2 =	sadd.s32 s2, s15  }
0x8e: {  	[smem:$0x3FC7] =	sst s2  }
0x8f: {  	_ = 	snop  }
0x90: {  	s2 =	sld [smem:$0x3FD0];
	_ =	sdelay $0x2  }
0x91: {  	s16 =	simm.s32 $0xA;
	s4 =	simm.s32 $0x10  }
0x92: {  	[smem:s4], [sflag:s16] =	dma.local [hbm:s2], $0x1  }
0x93: {  	_ =	swait.eq [sflag:s16], $0x1  }
0x94: {  	[sflag:s16] =	ssyncset.done $0x0  }
0x95: {  	[sflag:s16] =	ssyncadd.s32 $0xFFFFFFFF  }
0x96: {  	s17 =	sld [smem:$0x11];
	(tm) =	ssettm $0x1  }
0x97: {  	s18 =	sld [smem:$0x3FFB];
	_ =	sdelay $0x3  }
0x98: {  	_ =	strace s18  }
0x99: {  	s3 =	sld [smem:$0x3FFC];
	_ =	sdelay $0x3  }
0x9a: {  	_ =	strace s3  }
0x9b: {  	s3 =	sld [smem:$0x3FFD];
	_ =	sdelay $0x3  }
0x9c: {  	_ =	strace s3  }
0x9d: {  	_ =	strace $0x8FFFFFFF  }
0x9e: {  	s19 =	sld [smem:$0x3FDB];
	_ =	sdelay $0x1  }
0x9f: {  	s20 =	simm.s32 $_scs_section_size  }
0xa0: {  	s5 =	simm.s32 $_size__tile_overlayer_lowered;
	s6 =	simm.s32 $_tile_overlayer_lowered  }
0xa1: {  	s23 =	simm.s32 $0x1BFF;
	s22 =	sshll.u32 s6, $0x1;
	s3 =	sadd.s32 s20, s19  }
0xa2: {  	s7 =	simm.s32 $0x0;
	s21 =	sshll.u32 s5, $0x1;
	s5 =	sadd.s32 s22, s3  }
0xa3: {  	[timem:s7], [sflag:s23] =	dma.local [hbm:s5], s21  }
0xa4: {  	_ =	swait.ge [sflag:s23], s21  }
0xa5: {  	s4 =	ssub.s32 $0x0, s21;
	[sflag:s23] =	ssyncset.done $0x0  }
0xa6: {  	[sflag:s23] =	ssyncadd.s32 s4;
	_ =	sdelay $0x1  }
0xa7: {  	s24 =	simm.s32 $0x1B8B  }
0xa8: {  	_ =	swait.ge [sflag:s24], $0x1  }
0xa9: {  	[sflag:s24] =	ssyncset.done $0x0  }
0xaa: {  	s25 =	simm.s32 $0x1B8E;
	[sflag:s24] =	ssyncadd.s32 $0xFFFFFFFF  }
0xab: {  	s26 =	simm.s32 $execute0_lowered;
	[smem:$0x3FD2] =	sst s25  }
0xac: {  	s4 =	sshll.u32 s26, $0x1;
	_ =	strace $0x80000046;
	[dreg:$0x1] =	wrdreg $0xFFFFFFFF  }
0xad: {  	s28 =	simm.s32 $_size_execute0_lowered;
	s3 =	sadd.s32 s3, s4;
	[dreg:$0x0] =	wrdreg $0x0  }
0xae: {  	s4 =	sshll.u32 s28, $0x1;
	[dreg:$0x2] =	wrdreg s3  }
0xaf: {  	[dreg:$0x3] =	wrdreg s4  }
0xb0: {  	[dreg:$0x4] =	wrdreg $0xC0  }
0xb1: {  	_ =	task [dreg:s7], $0x5FFFF  }
0xb2: {  	[dreg:$0x1] =	wrdreg $0xFFFFFFFF  }
0xb3: {  	[dreg:$0x0] =	wrdreg $0x60  }
0xb4: {  	[dreg:$0x2] =	wrdreg s17  }
0xb5: {  	[dreg:$0x3] =	wrdreg $0x9  }
0xb6: {  	_ =	task.clear_ibuf [dreg:s7], $0x4FFFF;
	_ =	strace $0x90000046  }
0xb7: {  	s29 =	simm.s32 $0x9;
	_ =	strace $0x80000048  }
0xb8: {  	_ =	swait.ge [sflag:s29], $0x1  }
0xb9: {  	[sflag:s29] =	ssyncadd.s32 $0xFFFFFFFF  }
0xba: {  	_ =	strace $0x90000048  }
0xbb: {  	_ =	sfence  }
0xbc: {  	s30 =	sld [smem:$0x0];
	_ =	sdelay $0x2  }
0xbd: {  	s31 =	sshll.u32 s1, $0xD;
	s1 =	sshrl.u32 s1, $0x2  }
0xbe: {  	s3 =	sand.u32 $0x4000, s31;
	s1 =	sadd.s32 s1, s30  }
0xbf: {  	s0 =	sor.u32 s3, s0;
	s1 =	sshll.u32 s1, $0x11  }
0xc0: {  	s0 =	sor.u32 s1, s0  }
0xc1: {  	s0 =	sadd.s32 $0x8F2B, s0  }
0xc2: {  	[sflag:s0] =	ssyncadd.remote.s32 $0x1  }
0xc3: {  	_ =	sfence.sel $0xFFFF  }
0xc4: {  	[dreg:$0x0] =	wrdreg $0xFFFFFFFF;
	(pc) =	sbr.abs _section_cstart, $3  }
0xc5: {  	[dreg:$0x1] =	wrdreg $0xFFFFFFFF  }
0xc6: {  	_ =	task.clear_ibuf [dreg:s7], $0x2FFFF;
	_ =	strace $0x9FFFFFFF  }
0xc7: {  	(tm) =	ssettm $0x7FFFFFFF  }
tec
execute0_lowered:
.L_overlay_start_1:
0x0: {  	(tag) =	ssettag $0x1  }
0x1: {  	s0 =	srdreg.scid  }
0x2: {  	s3 =	sand.u32 $0x1, s0  }
0x3: {  	s4 =	ssub.s32 $0x2, s3  }
0x4: {  	s5 =	sshrl.u32 s4, $0x1  }
0x5: {  	s4 =	ssub.s32 s4, s5  }
0x6: {  	s2 =	rddreg [dreg:$0x0];
	s1 =	simm.s32 $0x0;
	s4 =	smax.u32 s4, $0x1  }
0x7: {  	[smem:$0x7FF] =	sst s1;
	s1 =	stileid.u32;
	s4 =	sadd.s32 $0xFFFFFFFF, s4  }
0x8: {  	v0 =	vlaneseq.u32;
	s0 =	rddreg [dreg:$0x1];
	s3 =	sor.u32 s3, s1;
	p1 =	sne.s32 s4, $0x0  }
.Ltmp0:
0x9: {  	v1 =	vor.u32 $0x10, v0;
	_ =	strace $0x80000047;
	[tilespmem:$0x0] =	vst v0;
	p0 =	sne.s32 s3, $0x0;
	(pc) =	sbr.rel @!p1 .LBB2_2-.Ltmp0, $4  }
0xa: {  	[tilespmem:$0x10] =	vst v1;
	s5 =	simm.s32 @!p0 $0x0;
	s3 =	simm.s32 @!p0 $0x1  }
0xb: {  	[hbm4b:s2+s5] =	stream.linear.scatter @!p0 [tilespmem:s5], [sflag:$0x1], $0x20, $0x38;
	[tilespmem:$0x20] =	vst v63  }
0xc: {  	_ =	swait.ge @!p0 [sflag:s3], $0x20  }
0xd: {  	[sflag:s3] =	ssyncset.done @!p0 $0x0  }
.LBB2_1:
0xe: {  	s4 =	sadd.s32 $0xFFFFFFFF, s4  }
0xf: {  	[sflag:s3] =	ssyncadd.s32 @!p0 $0xFFFFFFE0;
	p1 =	sne.s32 s4, $0x0  }
.Ltmp1:
0x10: {  	[tilespmem:$0x0] =	vst v0;
	(pc) =	sbr.rel @p1 .LBB2_1-.Ltmp1, $4  }
0x11: {  	[tilespmem:$0x10] =	vst v1  }
0x12: {  	[hbm4b:s2+s5] =	stream.linear.scatter @!p0 [tilespmem:s5], [sflag:$0x1], $0x20, $0x38;
	[tilespmem:$0x20] =	vst v63  }
0x13: {  	_ =	swait.ge @!p0 [sflag:s3], $0x20  }
0x14: {  	[sflag:s3] =	ssyncset.done @!p0 $0x0  }
.LBB2_2:
0x15: {  	[sflag:s3] =	ssyncadd.s32 @!p0 $0xFFFFFFE0  }
0x16: {  	_ =	sfence.sel $0x180000  }
0x17: {  	[bflag:$0x0] =	sbarrier.arrive $0xFFFF  }
0x18: {  	p0 =	sne.s32 s1, $0x0;
	_ =	strace $0x90000047  }
0x19: {  	s0 =	sadd.s32 @!p0 $0x100000, s0;
	[bflag:$0x2] =	sbarrier.arrive $0xFFFF  }
0x1a: {  	[sflag:s0] =	ssyncadd.tile.s32 @!p0 $0x1;
	_ =	shalt  }
.Lfunc_end2:
_tile_overlayer_lowered:
.L_overlay_start_2:
0x1b: {  	(tag) =	ssettag $0x2  }
0x1c: {  	s0 =	rddreg [dreg:$0x0];
	s2 =	stileid.u32  }
0x1d: {  	s1 =	rddreg [dreg:$0x1];
	p0 =	sne.s32 s2, $0x0  }
0x1e: {  	s3 =	rddreg [dreg:$0x2];
	[bflag:$0x3] =	sbarrier.arrive $0xFFFF;
	s2 =	simm.s32 @!p0 $0x1C02  }
0x1f: {  	[timem:s3], [sflag:s2] =	dma.local @!p0 [hbm:s0], s1  }
0x20: {  	s0 =	simm.s32 @!p0 $0x2  }
0x21: {  	_ =	swait.ge @!p0 [sflag:s0], s1  }
0x22: {  	s1 =	ssub.s32 @!p0 $0x0, s1;
	[sflag:s0] =	ssyncset.done @!p0 $0x0  }
0x23: {  	[sflag:s0] =	ssyncadd.s32 @!p0 s1  }
0x24: {  	[bflag:$0x3] =	sbarrier.arrive $0xFFFF  }
0x25: {  	_ =	shalt  }

</sc_bundles>
